<compile_context>
chip_gen: v7x
topology: tpu7x:2x2x1
jax: 0.10.2.dev20260603
libtpu: 0.0.44.dev20260713+nightly
codegen_flags: <defaults>
</compile_context>

<pallas_src>
import functools

import jax
import jax.numpy as jnp
from jax import lax
from jax.experimental import pallas as pl
from jax.experimental.pallas import tpu as pltpu
from jax.experimental.pallas import tpu_sc as plsc


def kernel(x_user, weight):
    B, L = x_user.shape
    V, D = weight.shape

    info = plsc.get_sparse_core_info()
    NC, NS, LANES = info.num_cores, info.num_subcores, info.num_lanes
    NW = NC * NS
    b_per_w = B // NW
    n_groups = b_per_w // LANES
    inv_l = jnp.float32(1.0 / L)

    mesh = plsc.VectorSubcoreMesh(core_axis_name="c", subcore_axis_name="s")

    @functools.partial(
        pl.kernel,
        mesh=mesh,
        out_type=jax.ShapeDtypeStruct((B * D,), jnp.float32),
        scratch_types=[
            pltpu.VMEM((b_per_w * L,), jnp.int32),
            pltpu.VMEM((V * D,), jnp.float32),
            pltpu.VMEM((b_per_w * D,), jnp.float32),
        ],
        compiler_params=pltpu.CompilerParams(needs_layout_passes=False),
    )
    def _embbag(x_hbm, w_hbm, out_hbm, idx_v, w_v, out_v):
        wid = lax.axis_index("s") * NC + lax.axis_index("c")
        base = wid * b_per_w
        pltpu.sync_copy(x_hbm.at[pl.ds(base * L, b_per_w * L)], idx_v)
        pltpu.sync_copy(w_hbm, w_v)

        lanes = lax.iota(jnp.int32, LANES)

        def g_body(g, carry):
            rows = g * LANES + lanes
            idx_base = rows * L

            def l_body(l, accs):
                idx16 = plsc.load_gather(idx_v, [idx_base + l])
                waddr = idx16 * D
                return tuple(
                    accs[d] + plsc.load_gather(w_v, [waddr + d])
                    for d in range(D)
                )

            acc0 = tuple(jnp.zeros((LANES,), jnp.float32) for _ in range(D))
            accs = lax.fori_loop(0, L, l_body, acc0)
            out_base = rows * D
            for d in range(D):
                plsc.store_scatter(out_v, [out_base + d], accs[d] * inv_l)
            return carry

        lax.fori_loop(0, n_groups, g_body, 0)
        pltpu.sync_copy(out_v, out_hbm.at[pl.ds(base * D, b_per_w * D)])

    out = _embbag(x_user.reshape(B * L), weight.reshape(V * D))
    return out.reshape(B, D)

# --- scband reference (transcript-rebuilt; emitter-appended) ---
"""Pipeline reference for scband-dummy-model-11879879542683 (READ-ONLY COPY).

The authoritative reference and input builder live on the scoring server;
editing this copy changes nothing except your own understanding.
"""

import jax, jax.numpy as jnp
import numpy as np

VOCAB = 500
EMBED_DIM = 12
BATCH = 16384
HIST = 200


def setup_inputs(seed: int = 0) -> dict:
    key = jax.random.key(seed)
    k1, k2 = jax.random.split(key)
    x_user = jax.random.randint(k1, (BATCH, HIST), 0, VOCAB)
    # nn.EmbeddingBag weight initialized from N(0, 1)
    weight = jax.random.normal(k2, (VOCAB, EMBED_DIM), dtype=jnp.float32)
    return {"x_user": x_user, "weight": weight}


def reference(x_user, weight):
    # nn.EmbeddingBag with 2D input: each row is a bag; default mode='mean'
    emb = jnp.take(weight, x_user, axis=0)  # [B, L, D] gather
    user = jnp.mean(emb, axis=1)            # [B, D] mean-pool per bag
    return user

if __name__ == "__main__":
    import jax
    _d = setup_inputs()
    print(jax.jit(kernel)(*tuple(_d.values())))

</pallas_src>

<mosaic_0001>
#map = affine_map<(d0, d1) -> (0)>
module attributes {stable_mosaic.version = 14 : i64} {
  func.func @_rewritten_body(%arg0: i32, %arg1: i32, %arg2: memref<3276800xi32, #tpu.memory_space<hbm>>, %arg3: memref<6000xf32, #tpu.memory_space<hbm>>, %arg4: memref<1xf32, #tpu.memory_space<hbm>>, %arg5: memref<196608xf32, #tpu.memory_space<hbm>>, %arg6: memref<102400xi32, #tpu.memory_space<vmem>>, %arg7: memref<6000xf32, #tpu.memory_space<vmem>>, %arg8: memref<6144xf32, #tpu.memory_space<vmem>>) attributes {dimension_semantics = [#tpu.dimension_semantics<core_parallel>, #tpu.dimension_semantics<subcore_parallel>], iteration_bounds = array<i64: 2, 16>, scalar_prefetch = 0 : i64, scratch_operands = 3 : i64, tpu.core_type = #tpu.core_type<sc_vector_subcore>, window_params = [{transform_indices = #map}, {transform_indices = #map}, {transform_indices = #map}, {transform_indices = #map}]} {
    %empty_ref3A = memref.alloca() : memref<16xf32, #tpu.memory_space<vmem>>
    "tpu.region"() ({
      %run_scoped3A = tpu.sem_alloc : memref<!tpu.dma_semaphore, #tpu.memory_space<semaphore_mem>>
      %dma_start3A = arith.constant 0 : i32
      %dma_start3A_13 = tpu.memref_slice %empty_ref3A[%dma_start3A] : memref<16xf32, #tpu.memory_space<vmem>> -> memref<1xf32, #tpu.memory_space<vmem>>
      %dma_start3A_14 = arith.constant 0 : i32
      %dma_start3A_15 = tpu.memref_slice %empty_ref3A[%dma_start3A_14] : memref<16xf32, #tpu.memory_space<vmem>> -> memref<1xf32, #tpu.memory_space<vmem>>
      tpu.enqueue_dma source(%arg4 : memref<1xf32, #tpu.memory_space<hbm>>) target(%dma_start3A_15 : memref<1xf32, #tpu.memory_space<vmem>>) target_semaphore(%run_scoped3A : memref<!tpu.dma_semaphore, #tpu.memory_space<semaphore_mem>>)
      %dma_wait3A = arith.constant 0 : i32
      %dma_wait3A_16 = tpu.memref_slice %empty_ref3A[%dma_wait3A] : memref<16xf32, #tpu.memory_space<vmem>> -> memref<1xf32, #tpu.memory_space<vmem>>
      %dma_wait3A_17 = arith.constant 0 : i32
      %dma_wait3A_18 = tpu.memref_slice %empty_ref3A[%dma_wait3A_17] : memref<16xf32, #tpu.memory_space<vmem>> -> memref<1xf32, #tpu.memory_space<vmem>>
      tpu.wait_dma2 semaphore(%run_scoped3A : memref<!tpu.dma_semaphore, #tpu.memory_space<semaphore_mem>>) src(%arg4 : memref<1xf32, #tpu.memory_space<hbm>>) dst(%dma_wait3A_18 : memref<1xf32, #tpu.memory_space<vmem>>)
      tpu.yield
    }) : () -> ()
    %get3A = arith.constant 0 : index
    %get3A_0 = tpu.vector_load %empty_ref3A[%get3A] {strides = array<i32>} : memref<16xf32, #tpu.memory_space<vmem>>, vector<16xf32>,
    %slice3A = vector.extract_strided_slice %get3A_0 {offsets = [0], sizes = [1], strides = [1]} : vector<16xf32> to vector<1xf32>
    %squeeze3A = vector.extract %slice3A[0] : f32 from vector<1xf32>
    %mul3A = arith.constant 2 : i32
    %mul3A_1 = arith.muli %arg1, %mul3A : i32
    %add3A = arith.addi %mul3A_1, %arg0 : i32
    %mul3A_2 = arith.constant 512 : i32
    %mul3A_3 = arith.muli %add3A, %mul3A_2 : i32
    %mul3A_4 = arith.constant 200 : i32
    %mul3A_5 = arith.muli %mul3A_3, %mul3A_4 : i32
    "tpu.region"() ({
      %run_scoped3A = tpu.sem_alloc : memref<!tpu.dma_semaphore, #tpu.memory_space<semaphore_mem>>
      %dma_start3A = tpu.memref_slice %arg2[%mul3A_5] : memref<3276800xi32, #tpu.memory_space<hbm>> -> memref<102400xi32, #tpu.memory_space<hbm>>
      %dma_start3A_13 = tpu.memref_slice %arg2[%mul3A_5] : memref<3276800xi32, #tpu.memory_space<hbm>> -> memref<102400xi32, #tpu.memory_space<hbm>>
      tpu.enqueue_dma source(%dma_start3A_13 : memref<102400xi32, #tpu.memory_space<hbm>>) target(%arg6 : memref<102400xi32, #tpu.memory_space<vmem>>) target_semaphore(%run_scoped3A : memref<!tpu.dma_semaphore, #tpu.memory_space<semaphore_mem>>)
      %dma_wait3A = tpu.memref_slice %arg2[%mul3A_5] : memref<3276800xi32, #tpu.memory_space<hbm>> -> memref<102400xi32, #tpu.memory_space<hbm>>
      %dma_wait3A_14 = tpu.memref_slice %arg2[%mul3A_5] : memref<3276800xi32, #tpu.memory_space<hbm>> -> memref<102400xi32, #tpu.memory_space<hbm>>
      tpu.wait_dma2 semaphore(%run_scoped3A : memref<!tpu.dma_semaphore, #tpu.memory_space<semaphore_mem>>) src(%dma_wait3A_14 : memref<102400xi32, #tpu.memory_space<hbm>>) dst(%arg6 : memref<102400xi32, #tpu.memory_space<vmem>>)
      tpu.yield
    }) : () -> ()
    "tpu.region"() ({
      %run_scoped3A = tpu.sem_alloc : memref<!tpu.dma_semaphore, #tpu.memory_space<semaphore_mem>>
      tpu.enqueue_dma source(%arg3 : memref<6000xf32, #tpu.memory_space<hbm>>) target(%arg7 : memref<6000xf32, #tpu.memory_space<vmem>>) target_semaphore(%run_scoped3A : memref<!tpu.dma_semaphore, #tpu.memory_space<semaphore_mem>>)
      tpu.wait_dma2 semaphore(%run_scoped3A : memref<!tpu.dma_semaphore, #tpu.memory_space<semaphore_mem>>) src(%arg3 : memref<6000xf32, #tpu.memory_space<hbm>>) dst(%arg7 : memref<6000xf32, #tpu.memory_space<vmem>>)
      tpu.yield
    }) : () -> ()
    %iota3A = tpu.iota {dimensions = array<i32: 0>} : vector<16xi32>
    %scan3A = arith.constant 0 : i32
    %scan3A_6 = arith.constant 0 : i32
    %scan3A_7 = arith.constant 32 : i32
    %scan3A_8 = arith.addi %scan3A_6, %scan3A_7 : i32
    %scan3A_9 = arith.constant 1 : i32
    scf.for %scan3A_13 = %scan3A_6 to %scan3A_8 step %scan3A_9  : i32 {
      %mul3A_14 = arith.constant 16 : i32
      %mul3A_15 = arith.muli %scan3A_13, %mul3A_14 : i32
      %add3A_16 = vector.broadcast %mul3A_15 : i32 to vector<16xi32>
      %add3A_17 = arith.addi %add3A_16, %iota3A : vector<16xi32>
      %mul3A_18 = arith.constant 200 : i32
      %mul3A_19 = vector.broadcast %mul3A_18 : i32 to vector<16xi32>
      %mul3A_20 = arith.muli %add3A_17, %mul3A_19 : vector<16xi32>
      %broadcast_in_dim3A = arith.constant 0.000000e+00 : f32
      %broadcast_in_dim3A_21 = vector.broadcast %broadcast_in_dim3A : f32 to vector<16xf32>
      %broadcast_in_dim3A_22 = arith.constant 0.000000e+00 : f32
      %broadcast_in_dim3A_23 = vector.broadcast %broadcast_in_dim3A_22 : f32 to vector<16xf32>
      %broadcast_in_dim3A_24 = arith.constant 0.000000e+00 : f32
      %broadcast_in_dim3A_25 = vector.broadcast %broadcast_in_dim3A_24 : f32 to vector<16xf32>
      %broadcast_in_dim3A_26 = arith.constant 0.000000e+00 : f32
      %broadcast_in_dim3A_27 = vector.broadcast %broadcast_in_dim3A_26 : f32 to vector<16xf32>
      %broadcast_in_dim3A_28 = arith.constant 0.000000e+00 : f32
      %broadcast_in_dim3A_29 = vector.broadcast %broadcast_in_dim3A_28 : f32 to vector<16xf32>
      %broadcast_in_dim3A_30 = arith.constant 0.000000e+00 : f32
      %broadcast_in_dim3A_31 = vector.broadcast %broadcast_in_dim3A_30 : f32 to vector<16xf32>
      %broadcast_in_dim3A_32 = arith.constant 0.000000e+00 : f32
      %broadcast_in_dim3A_33 = vector.broadcast %broadcast_in_dim3A_32 : f32 to vector<16xf32>
      %broadcast_in_dim3A_34 = arith.constant 0.000000e+00 : f32
      %broadcast_in_dim3A_35 = vector.broadcast %broadcast_in_dim3A_34 : f32 to vector<16xf32>
      %broadcast_in_dim3A_36 = arith.constant 0.000000e+00 : f32
      %broadcast_in_dim3A_37 = vector.broadcast %broadcast_in_dim3A_36 : f32 to vector<16xf32>
      %broadcast_in_dim3A_38 = arith.constant 0.000000e+00 : f32
      %broadcast_in_dim3A_39 = vector.broadcast %broadcast_in_dim3A_38 : f32 to vector<16xf32>
      %broadcast_in_dim3A_40 = arith.constant 0.000000e+00 : f32
      %broadcast_in_dim3A_41 = vector.broadcast %broadcast_in_dim3A_40 : f32 to vector<16xf32>
      %broadcast_in_dim3A_42 = arith.constant 0.000000e+00 : f32
      %broadcast_in_dim3A_43 = vector.broadcast %broadcast_in_dim3A_42 : f32 to vector<16xf32>
      %scan3A_44 = arith.constant 0 : i32
      %scan3A_45 = arith.constant 200 : i32
      %scan3A_46 = arith.addi %scan3A_44, %scan3A_45 : i32
      %scan3A_47 = arith.constant 1 : i32
      %scan3A_48:12 = scf.for %scan3A_113 = %scan3A_44 to %scan3A_46 step %scan3A_47 iter_args(%scan3A_114 = %broadcast_in_dim3A_21, %scan3A_115 = %broadcast_in_dim3A_23, %scan3A_116 = %broadcast_in_dim3A_25, %scan3A_117 = %broadcast_in_dim3A_27, %scan3A_118 = %broadcast_in_dim3A_29, %scan3A_119 = %broadcast_in_dim3A_31, %scan3A_120 = %broadcast_in_dim3A_33, %scan3A_121 = %broadcast_in_dim3A_35, %scan3A_122 = %broadcast_in_dim3A_37, %scan3A_123 = %broadcast_in_dim3A_39, %scan3A_124 = %broadcast_in_dim3A_41, %scan3A_125 = %broadcast_in_dim3A_43) -> (vector<16xf32>, vector<16xf32>, vector<16xf32>, vector<16xf32>, vector<16xf32>, vector<16xf32>, vector<16xf32>, vector<16xf32>, vector<16xf32>, vector<16xf32>, vector<16xf32>, vector<16xf32>)  : i32 {
        %add3A_126 = vector.broadcast %scan3A_113 : i32 to vector<16xi32>
        %add3A_127 = arith.addi %mul3A_20, %add3A_126 : vector<16xi32>
        %gather3A = tpu.vector_load_idx %arg6[%add3A_127] : memref<102400xi32, #tpu.memory_space<vmem>>[vector<16xi32>], vector<16xi32>,
        %mul3A_128 = arith.constant 12 : i32
        %mul3A_129 = vector.broadcast %mul3A_128 : i32 to vector<16xi32>
        %mul3A_130 = arith.muli %gather3A, %mul3A_129 : vector<16xi32>
        %add3A_131 = arith.constant 0 : i32
        %add3A_132 = vector.broadcast %add3A_131 : i32 to vector<16xi32>
        %add3A_133 = arith.addi %mul3A_130, %add3A_132 : vector<16xi32>
        %gather3A_134 = tpu.vector_load_idx %arg7[%add3A_133] : memref<6000xf32, #tpu.memory_space<vmem>>[vector<16xi32>], vector<16xf32>,
        %add3A_135 = arith.addf %scan3A_114, %gather3A_134 : vector<16xf32>
        %add3A_136 = arith.constant 1 : i32
        %add3A_137 = vector.broadcast %add3A_136 : i32 to vector<16xi32>
        %add3A_138 = arith.addi %mul3A_130, %add3A_137 : vector<16xi32>
        %gather3A_139 = tpu.vector_load_idx %arg7[%add3A_138] : memref<6000xf32, #tpu.memory_space<vmem>>[vector<16xi32>], vector<16xf32>,
        %add3A_140 = arith.addf %scan3A_115, %gather3A_139 : vector<16xf32>
        %add3A_141 = arith.constant 2 : i32
        %add3A_142 = vector.broadcast %add3A_141 : i32 to vector<16xi32>
        %add3A_143 = arith.addi %mul3A_130, %add3A_142 : vector<16xi32>
        %gather3A_144 = tpu.vector_load_idx %arg7[%add3A_143] : memref<6000xf32, #tpu.memory_space<vmem>>[vector<16xi32>], vector<16xf32>,
        %add3A_145 = arith.addf %scan3A_116, %gather3A_144 : vector<16xf32>
        %add3A_146 = arith.constant 3 : i32
        %add3A_147 = vector.broadcast %add3A_146 : i32 to vector<16xi32>
        %add3A_148 = arith.addi %mul3A_130, %add3A_147 : vector<16xi32>
        %gather3A_149 = tpu.vector_load_idx %arg7[%add3A_148] : memref<6000xf32, #tpu.memory_space<vmem>>[vector<16xi32>], vector<16xf32>,
        %add3A_150 = arith.addf %scan3A_117, %gather3A_149 : vector<16xf32>
        %add3A_151 = arith.constant 4 : i32
        %add3A_152 = vector.broadcast %add3A_151 : i32 to vector<16xi32>
        %add3A_153 = arith.addi %mul3A_130, %add3A_152 : vector<16xi32>
        %gather3A_154 = tpu.vector_load_idx %arg7[%add3A_153] : memref<6000xf32, #tpu.memory_space<vmem>>[vector<16xi32>], vector<16xf32>,
        %add3A_155 = arith.addf %scan3A_118, %gather3A_154 : vector<16xf32>
        %add3A_156 = arith.constant 5 : i32
        %add3A_157 = vector.broadcast %add3A_156 : i32 to vector<16xi32>
        %add3A_158 = arith.addi %mul3A_130, %add3A_157 : vector<16xi32>
        %gather3A_159 = tpu.vector_load_idx %arg7[%add3A_158] : memref<6000xf32, #tpu.memory_space<vmem>>[vector<16xi32>], vector<16xf32>,
        %add3A_160 = arith.addf %scan3A_119, %gather3A_159 : vector<16xf32>
        %add3A_161 = arith.constant 6 : i32
        %add3A_162 = vector.broadcast %add3A_161 : i32 to vector<16xi32>
        %add3A_163 = arith.addi %mul3A_130, %add3A_162 : vector<16xi32>
        %gather3A_164 = tpu.vector_load_idx %arg7[%add3A_163] : memref<6000xf32, #tpu.memory_space<vmem>>[vector<16xi32>], vector<16xf32>,
        %add3A_165 = arith.addf %scan3A_120, %gather3A_164 : vector<16xf32>
        %add3A_166 = arith.constant 7 : i32
        %add3A_167 = vector.broadcast %add3A_166 : i32 to vector<16xi32>
        %add3A_168 = arith.addi %mul3A_130, %add3A_167 : vector<16xi32>
        %gather3A_169 = tpu.vector_load_idx %arg7[%add3A_168] : memref<6000xf32, #tpu.memory_space<vmem>>[vector<16xi32>], vector<16xf32>,
        %add3A_170 = arith.addf %scan3A_121, %gather3A_169 : vector<16xf32>
        %add3A_171 = arith.constant 8 : i32
        %add3A_172 = vector.broadcast %add3A_171 : i32 to vector<16xi32>
        %add3A_173 = arith.addi %mul3A_130, %add3A_172 : vector<16xi32>
        %gather3A_174 = tpu.vector_load_idx %arg7[%add3A_173] : memref<6000xf32, #tpu.memory_space<vmem>>[vector<16xi32>], vector<16xf32>,
        %add3A_175 = arith.addf %scan3A_122, %gather3A_174 : vector<16xf32>
        %add3A_176 = arith.constant 9 : i32
        %add3A_177 = vector.broadcast %add3A_176 : i32 to vector<16xi32>
        %add3A_178 = arith.addi %mul3A_130, %add3A_177 : vector<16xi32>
        %gather3A_179 = tpu.vector_load_idx %arg7[%add3A_178] : memref<6000xf32, #tpu.memory_space<vmem>>[vector<16xi32>], vector<16xf32>,
        %add3A_180 = arith.addf %scan3A_123, %gather3A_179 : vector<16xf32>
        %add3A_181 = arith.constant 10 : i32
        %add3A_182 = vector.broadcast %add3A_181 : i32 to vector<16xi32>
        %add3A_183 = arith.addi %mul3A_130, %add3A_182 : vector<16xi32>
        %gather3A_184 = tpu.vector_load_idx %arg7[%add3A_183] : memref<6000xf32, #tpu.memory_space<vmem>>[vector<16xi32>], vector<16xf32>,
        %add3A_185 = arith.addf %scan3A_124, %gather3A_184 : vector<16xf32>
        %add3A_186 = arith.constant 11 : i32
        %add3A_187 = vector.broadcast %add3A_186 : i32 to vector<16xi32>
        %add3A_188 = arith.addi %mul3A_130, %add3A_187 : vector<16xi32>
        %gather3A_189 = tpu.vector_load_idx %arg7[%add3A_188] : memref<6000xf32, #tpu.memory_space<vmem>>[vector<16xi32>], vector<16xf32>,
        %add3A_190 = arith.addf %scan3A_125, %gather3A_189 : vector<16xf32>
        scf.yield %add3A_135, %add3A_140, %add3A_145, %add3A_150, %add3A_155, %add3A_160, %add3A_165, %add3A_170, %add3A_175, %add3A_180, %add3A_185, %add3A_190 : vector<16xf32>, vector<16xf32>, vector<16xf32>, vector<16xf32>, vector<16xf32>, vector<16xf32>, vector<16xf32>, vector<16xf32>, vector<16xf32>, vector<16xf32>, vector<16xf32>, vector<16xf32>
      }
      %scan3A_49 = arith.constant 200 : i32
      %mul3A_50 = arith.constant 12 : i32
      %mul3A_51 = vector.broadcast %mul3A_50 : i32 to vector<16xi32>
      %mul3A_52 = arith.muli %add3A_17, %mul3A_51 : vector<16xi32>
      %add3A_53 = arith.constant 0 : i32
      %add3A_54 = vector.broadcast %add3A_53 : i32 to vector<16xi32>
      %add3A_55 = arith.addi %mul3A_52, %add3A_54 : vector<16xi32>
      %mul3A_56 = vector.broadcast %squeeze3A : f32 to vector<16xf32>
      %mul3A_57 = arith.mulf %scan3A_48#0, %mul3A_56 : vector<16xf32>
      tpu.vector_store_idx %arg8[%add3A_55], %mul3A_57 : memref<6144xf32, #tpu.memory_space<vmem>>[vector<16xi32>], vector<16xf32>,
      %add3A_58 = arith.constant 1 : i32
      %add3A_59 = vector.broadcast %add3A_58 : i32 to vector<16xi32>
      %add3A_60 = arith.addi %mul3A_52, %add3A_59 : vector<16xi32>
      %mul3A_61 = vector.broadcast %squeeze3A : f32 to vector<16xf32>
      %mul3A_62 = arith.mulf %scan3A_48#1, %mul3A_61 : vector<16xf32>
      tpu.vector_store_idx %arg8[%add3A_60], %mul3A_62 : memref<6144xf32, #tpu.memory_space<vmem>>[vector<16xi32>], vector<16xf32>,
      %add3A_63 = arith.constant 2 : i32
      %add3A_64 = vector.broadcast %add3A_63 : i32 to vector<16xi32>
      %add3A_65 = arith.addi %mul3A_52, %add3A_64 : vector<16xi32>
      %mul3A_66 = vector.broadcast %squeeze3A : f32 to vector<16xf32>
      %mul3A_67 = arith.mulf %scan3A_48#2, %mul3A_66 : vector<16xf32>
      tpu.vector_store_idx %arg8[%add3A_65], %mul3A_67 : memref<6144xf32, #tpu.memory_space<vmem>>[vector<16xi32>], vector<16xf32>,
      %add3A_68 = arith.constant 3 : i32
      %add3A_69 = vector.broadcast %add3A_68 : i32 to vector<16xi32>
      %add3A_70 = arith.addi %mul3A_52, %add3A_69 : vector<16xi32>
      %mul3A_71 = vector.broadcast %squeeze3A : f32 to vector<16xf32>
      %mul3A_72 = arith.mulf %scan3A_48#3, %mul3A_71 : vector<16xf32>
      tpu.vector_store_idx %arg8[%add3A_70], %mul3A_72 : memref<6144xf32, #tpu.memory_space<vmem>>[vector<16xi32>], vector<16xf32>,
      %add3A_73 = arith.constant 4 : i32
      %add3A_74 = vector.broadcast %add3A_73 : i32 to vector<16xi32>
      %add3A_75 = arith.addi %mul3A_52, %add3A_74 : vector<16xi32>
      %mul3A_76 = vector.broadcast %squeeze3A : f32 to vector<16xf32>
      %mul3A_77 = arith.mulf %scan3A_48#4, %mul3A_76 : vector<16xf32>
      tpu.vector_store_idx %arg8[%add3A_75], %mul3A_77 : memref<6144xf32, #tpu.memory_space<vmem>>[vector<16xi32>], vector<16xf32>,
      %add3A_78 = arith.constant 5 : i32
      %add3A_79 = vector.broadcast %add3A_78 : i32 to vector<16xi32>
      %add3A_80 = arith.addi %mul3A_52, %add3A_79 : vector<16xi32>
      %mul3A_81 = vector.broadcast %squeeze3A : f32 to vector<16xf32>
      %mul3A_82 = arith.mulf %scan3A_48#5, %mul3A_81 : vector<16xf32>
      tpu.vector_store_idx %arg8[%add3A_80], %mul3A_82 : memref<6144xf32, #tpu.memory_space<vmem>>[vector<16xi32>], vector<16xf32>,
      %add3A_83 = arith.constant 6 : i32
      %add3A_84 = vector.broadcast %add3A_83 : i32 to vector<16xi32>
      %add3A_85 = arith.addi %mul3A_52, %add3A_84 : vector<16xi32>
      %mul3A_86 = vector.broadcast %squeeze3A : f32 to vector<16xf32>
      %mul3A_87 = arith.mulf %scan3A_48#6, %mul3A_86 : vector<16xf32>
      tpu.vector_store_idx %arg8[%add3A_85], %mul3A_87 : memref<6144xf32, #tpu.memory_space<vmem>>[vector<16xi32>], vector<16xf32>,
      %add3A_88 = arith.constant 7 : i32
      %add3A_89 = vector.broadcast %add3A_88 : i32 to vector<16xi32>
      %add3A_90 = arith.addi %mul3A_52, %add3A_89 : vector<16xi32>
      %mul3A_91 = vector.broadcast %squeeze3A : f32 to vector<16xf32>
      %mul3A_92 = arith.mulf %scan3A_48#7, %mul3A_91 : vector<16xf32>
      tpu.vector_store_idx %arg8[%add3A_90], %mul3A_92 : memref<6144xf32, #tpu.memory_space<vmem>>[vector<16xi32>], vector<16xf32>,
      %add3A_93 = arith.constant 8 : i32
      %add3A_94 = vector.broadcast %add3A_93 : i32 to vector<16xi32>
      %add3A_95 = arith.addi %mul3A_52, %add3A_94 : vector<16xi32>
      %mul3A_96 = vector.broadcast %squeeze3A : f32 to vector<16xf32>
      %mul3A_97 = arith.mulf %scan3A_48#8, %mul3A_96 : vector<16xf32>
      tpu.vector_store_idx %arg8[%add3A_95], %mul3A_97 : memref<6144xf32, #tpu.memory_space<vmem>>[vector<16xi32>], vector<16xf32>,
      %add3A_98 = arith.constant 9 : i32
      %add3A_99 = vector.broadcast %add3A_98 : i32 to vector<16xi32>
      %add3A_100 = arith.addi %mul3A_52, %add3A_99 : vector<16xi32>
      %mul3A_101 = vector.broadcast %squeeze3A : f32 to vector<16xf32>
      %mul3A_102 = arith.mulf %scan3A_48#9, %mul3A_101 : vector<16xf32>
      tpu.vector_store_idx %arg8[%add3A_100], %mul3A_102 : memref<6144xf32, #tpu.memory_space<vmem>>[vector<16xi32>], vector<16xf32>,
      %add3A_103 = arith.constant 10 : i32
      %add3A_104 = vector.broadcast %add3A_103 : i32 to vector<16xi32>
      %add3A_105 = arith.addi %mul3A_52, %add3A_104 : vector<16xi32>
      %mul3A_106 = vector.broadcast %squeeze3A : f32 to vector<16xf32>
      %mul3A_107 = arith.mulf %scan3A_48#10, %mul3A_106 : vector<16xf32>
      tpu.vector_store_idx %arg8[%add3A_105], %mul3A_107 : memref<6144xf32, #tpu.memory_space<vmem>>[vector<16xi32>], vector<16xf32>,
      %add3A_108 = arith.constant 11 : i32
      %add3A_109 = vector.broadcast %add3A_108 : i32 to vector<16xi32>
      %add3A_110 = arith.addi %mul3A_52, %add3A_109 : vector<16xi32>
      %mul3A_111 = vector.broadcast %squeeze3A : f32 to vector<16xf32>
      %mul3A_112 = arith.mulf %scan3A_48#11, %mul3A_111 : vector<16xf32>
      tpu.vector_store_idx %arg8[%add3A_110], %mul3A_112 : memref<6144xf32, #tpu.memory_space<vmem>>[vector<16xi32>], vector<16xf32>,
    }
    %scan3A_10 = arith.constant 32 : i32
    %mul3A_11 = arith.constant 12 : i32
    %mul3A_12 = arith.muli %mul3A_3, %mul3A_11 : i32
    "tpu.region"() ({
      %run_scoped3A = tpu.sem_alloc : memref<!tpu.dma_semaphore, #tpu.memory_space<semaphore_mem>>
      %dma_start3A = tpu.memref_slice %arg5[%mul3A_12] : memref<196608xf32, #tpu.memory_space<hbm>> -> memref<6144xf32, #tpu.memory_space<hbm>>
      %dma_start3A_13 = tpu.memref_slice %arg5[%mul3A_12] : memref<196608xf32, #tpu.memory_space<hbm>> -> memref<6144xf32, #tpu.memory_space<hbm>>
      tpu.enqueue_dma source(%arg8 : memref<6144xf32, #tpu.memory_space<vmem>>) target(%dma_start3A_13 : memref<6144xf32, #tpu.memory_space<hbm>>) target_semaphore(%run_scoped3A : memref<!tpu.dma_semaphore, #tpu.memory_space<semaphore_mem>>)
      %dma_wait3A = tpu.memref_slice %arg5[%mul3A_12] : memref<196608xf32, #tpu.memory_space<hbm>> -> memref<6144xf32, #tpu.memory_space<hbm>>
      %dma_wait3A_14 = tpu.memref_slice %arg5[%mul3A_12] : memref<196608xf32, #tpu.memory_space<hbm>> -> memref<6144xf32, #tpu.memory_space<hbm>>
      tpu.wait_dma2 semaphore(%run_scoped3A : memref<!tpu.dma_semaphore, #tpu.memory_space<semaphore_mem>>) src(%arg8 : memref<6144xf32, #tpu.memory_space<vmem>>) dst(%dma_wait3A_14 : memref<6144xf32, #tpu.memory_space<hbm>>)
      tpu.yield
    }) : () -> ()
    return
  }
}

</mosaic_0001>

<sc_bundles>
// kernel: kernel.3.cloned.1.call-start
scs
__scs_entry_jumppad:
0x0: {  	(pc) =	sbr.rel $0x88, $3  }
0x1: {  	(tag) =	ssettag $0x0;
	lr =	simm.s32 $0x1  }
0x2: {  	[smem:$0x3F9F] =	sst lr;
	_ =	strace $0xD0000000  }
0x3: {  	_ = 	snop  }
0x4: {  	_ = 	snop  }
0x5: {  	_ = 	snop  }
0x6: {  	_ = 	snop  }
0x7: {  	_ = 	snop  }
__scs_overlays_trampoline_lowered:
0x8: {  	[smem:$0x3FAE] =	sst s0  }
0x9: {  	[smem:$0x3FAF] =	sst s1  }
0xa: {  	[smem:$0x3FB0] =	sst s2  }
0xb: {  	[smem:$0x3FB1] =	sst s3  }
0xc: {  	[smem:$0x3FB2] =	sst s4  }
0xd: {  	[smem:$0x3FB3] =	sst s5  }
0xe: {  	[smem:$0x3FB4] =	sst s6  }
0xf: {  	[smem:$0x3FB5] =	sst s7  }
0x10: {  	[smem:$0x3FB6] =	sst s8  }
0x11: {  	[smem:$0x3FB7] =	sst s9;
	s0 =	simm.s32 @!p0 $0x0  }
0x12: {  	s1 =	sld [smem:$0x3F9D];
	s0 =	simm.s32 @p0 $0x1  }
0x13: {  	[smem:$0x3FB8] =	sst s0;
	s0 =	simm.s32 @!p1 $0x0  }
0x14: {  	s2 =	sld [smem:$0x3F9C];
	s0 =	simm.s32 @p1 $0x1  }
0x15: {  	[smem:$0x3FB9] =	sst s0;
	s0 =	simm.s32 @!p2 $0x0  }
0x16: {  	s3 =	sld [smem:$0x3FDB];
	s0 =	simm.s32 @p2 $0x1  }
0x17: {  	s4 =	simm.s32 $0x1BF5;
	[smem:$0x3FBB] =	sst s0  }
0x18: {  	s0 =	sld [smem:$0x3F9E];
	_ =	swait.ge [sflag:s4], $0x0  }
0x19: {  	s7 =	sld [smem:$0x3F9F]  }
0x1a: {  	s8 =	sadd.s32 $0xFFFFE003, lr  }
0x1b: {  	s9 =	sadd.s32 $0xFFFFFEF7, lr;
	s5 =	simm.s32 $0xFFFFFFFF;
	p2 =	slt.u32 s8, $0xFFFFF086  }
0x1c: {  	p1 =	slt.u32 s9, $0xF7A;
	s5 =	simm.s32 @!p2 $0x0  }
0x1d: {  	s5 =	simm.s32 @p1 $0x1;
	p0 =	seq.s32 s7, s2  }
0x1e: {  	s7 =	smul.u32 @!p0 $0xF7A, s2;
	p2 =	seq.s32 @!p0 s5, $0x0  }
0x1f: {  	s9 =	smul.u32 $0xF7A, s1;
	s8 =	simm.s32 @!p0 $0x1BF5;
	p2 =	por !p2, p0  }
0x20: {  	[sflag:s8] =	ssyncset.s32 @!p0 $0xFFFFF086;
	s6 =	sadd.s32 @!p0 s3, s7;
	s7 =	simm.s32 @!p0 $0x108  }
0x21: {  	s3 =	sadd.s32 s3, s9;
	s6 =	sadd.s32 @!p0 $0x88, s6;
	s7 =	simm.s32 @p2 $0x1082  }
0x22: {  	[simem:s7], [sflag:s8] =	dma.local @!p0 [hbm:s6], $0xF7A  }
0x23: {  	s9 =	sor.u32 $0xD0000000, s2;
	s6 =	simm.s32 $0x108;
	_ =	swait.ge @!p0 [sflag:s8], $0x0  }
0x24: {  	s3 =	sadd.s32 $0x88, s3;
	s6 =	simm.s32 @!p1 $0x1082;
	[sflag:s4] =	ssyncset.s32 $0xFFFFF086  }
0x25: {  	[simem:s6], [sflag:s4] =	dma.local [hbm:s3], $0xF7A  }
0x26: {  	[smem:$0x3F9F] =	sst s1;
	(tag) =	ssettag s2;
	_ =	strace s9  }
0x27: {  	s1 =	sld [smem:$0x3FAF]  }
0x28: {  	s2 =	sld [smem:$0x3FB0]  }
0x29: {  	s4 =	sld [smem:$0x3FB2]  }
0x2a: {  	p0 =	seq.s32 s5, $0x0;
	s5 =	sld [smem:$0x3FB3]  }
0x2b: {  	s6 =	sld [smem:$0x3FB4]  }
0x2c: {  	s7 =	sld [smem:$0x3FB5]  }
0x2d: {  	s3 =	simm.s32 $0x108;
	s8 =	sld [smem:$0x3FB6]  }
0x2e: {  	s3 =	simm.s32 @!p0 $0x1082;
	s9 =	sld [smem:$0x3FB7]  }
0x2f: {  	lr =	sadd.s32 s0, s3;
	s0 =	sld [smem:$0x3FAE]  }
0x30: {  	s3 =	sld [smem:$0x3FB1]  }
0x31: {  	[smem:$0x3FBA] =	sst s10  }
0x32: {  	s10 =	sld [smem:$0x3FB8];
	_ =	sdelay $0x3  }
0x33: {  	p0 =	seq.s32 s10, $0x1;
	s10 =	sld [smem:$0x3FBA];
	_ =	sdelay $0x3  }
0x34: {  	[smem:$0x3FBA] =	sst s10  }
0x35: {  	s10 =	sld [smem:$0x3FB9];
	_ =	sdelay $0x3  }
0x36: {  	p1 =	seq.s32 s10, $0x1;
	s10 =	sld [smem:$0x3FBA];
	_ =	sdelay $0x3  }
0x37: {  	[smem:$0x3FBA] =	sst s10  }
0x38: {  	s10 =	sld [smem:$0x3FBB]  }
0x39: {  	_ = 	snop;
	(pc) =	sbr.ind lr, $3  }
0x3a: {  	_ = 	snop  }
0x3b: {  	_ = 	snop  }
0x3c: {  	p2 =	seq.s32 s10, $0x1;
	s10 =	sld [smem:$0x3FBA]  }
0x3d: {  	_ =	shalt  }
0x3e: {  	_ =	shalt  }
0x3f: {  	_ =	shalt  }
0x40: {  	_ =	shalt  }
0x41: {  	_ =	shalt  }
0x42: {  	_ =	shalt  }
0x43: {  	_ =	shalt  }
0x44: {  	_ =	shalt  }
0x45: {  	_ =	shalt  }
0x46: {  	_ =	shalt  }
0x47: {  	_ =	shalt  }
0x48: {  	_ =	shalt  }
0x49: {  	_ =	shalt  }
0x4a: {  	_ =	shalt  }
0x4b: {  	_ =	shalt  }
0x4c: {  	_ =	shalt  }
0x4d: {  	_ =	shalt  }
0x4e: {  	_ =	shalt  }
0x4f: {  	_ =	shalt  }
0x50: {  	_ =	shalt  }
0x51: {  	_ =	shalt  }
0x52: {  	_ =	shalt  }
0x53: {  	_ =	shalt  }
0x54: {  	_ =	shalt  }
0x55: {  	_ =	shalt  }
0x56: {  	_ =	shalt  }
0x57: {  	_ =	shalt  }
0x58: {  	_ =	shalt  }
0x59: {  	_ =	shalt  }
0x5a: {  	_ =	shalt  }
0x5b: {  	_ =	shalt  }
0x5c: {  	_ =	shalt  }
0x5d: {  	_ =	shalt  }
0x5e: {  	_ =	shalt  }
0x5f: {  	_ =	shalt  }
0x60: {  	_ =	shalt  }
0x61: {  	_ =	shalt  }
0x62: {  	_ =	shalt  }
0x63: {  	_ =	shalt  }
0x64: {  	_ =	shalt  }
0x65: {  	_ =	shalt  }
0x66: {  	_ =	shalt  }
0x67: {  	_ =	shalt  }
0x68: {  	_ =	shalt  }
0x69: {  	_ =	shalt  }
0x6a: {  	_ =	shalt  }
0x6b: {  	_ =	shalt  }
0x6c: {  	_ =	shalt  }
0x6d: {  	_ =	shalt  }
0x6e: {  	_ =	shalt  }
0x6f: {  	_ =	shalt  }
0x70: {  	_ =	shalt  }
0x71: {  	_ =	shalt  }
0x72: {  	_ =	shalt  }
0x73: {  	_ =	shalt  }
0x74: {  	_ =	shalt  }
0x75: {  	_ =	shalt  }
0x76: {  	_ =	shalt  }
0x77: {  	_ =	shalt  }
0x78: {  	_ =	shalt  }
0x79: {  	_ =	shalt  }
0x7a: {  	_ =	shalt  }
0x7b: {  	_ =	shalt  }
0x7c: {  	_ =	shalt  }
0x7d: {  	_ =	shalt  }
0x7e: {  	_ =	shalt  }
0x7f: {  	_ =	shalt  }
0x80: {  	_ =	shalt  }
0x81: {  	_ =	shalt  }
0x82: {  	_ =	shalt  }
0x83: {  	_ =	shalt  }
0x84: {  	_ =	shalt  }
0x85: {  	_ =	shalt  }
0x86: {  	_ =	shalt  }
0x87: {  	_ =	shalt  }
.Lfunc_end0:
.L_simem_size_0:
called_computation_lowered:
.L_overlay_start_0:
0x88: {  	s2 =	sld [smem:$0x3FD9]  }
0x89: {  	s3 =	sld [smem:$0x3FFE];
	_ =	sdelay $0x1  }
0x8a: {  	s1 =	srdreg.scid  }
0x8b: {  	s0 =	sand.u32 $0x1, s1  }
0x8c: {  	s17 =	sshll.u32 s0, $0xA;
	s2 =	sadd.s32 s3, s2  }
0x8d: {  	s2 =	sadd.s32 s2, s17  }
0x8e: {  	[smem:$0x3FC6] =	sst s2  }
0x8f: {  	_ = 	snop  }
0x90: {  	s2 =	sld [smem:$0x3FD0];
	(tm) =	ssettm $0x1  }
0x91: {  	s18 =	sld [smem:$0x3FFB];
	_ =	sdelay $0x3  }
0x92: {  	_ =	strace s18  }
0x93: {  	s3 =	sld [smem:$0x3FFC];
	_ =	sdelay $0x3  }
0x94: {  	_ =	strace s3  }
0x95: {  	s3 =	sld [smem:$0x3FFD];
	_ =	sdelay $0x3  }
0x96: {  	_ =	strace s3  }
0x97: {  	_ =	strace $0x8FFFFFFF  }
0x98: {  	s19 =	sld [smem:$0x3FDB];
	_ =	sdelay $0x1  }
0x99: {  	s4 =	simm.s32 $_scs_section_size  }
0x9a: {  	s5 =	simm.s32 $_size__tile_overlayer_lowered;
	s6 =	simm.s32 $_tile_overlayer_lowered  }
0x9b: {  	s22 =	simm.s32 $0x1BFF;
	s21 =	sshll.u32 s6, $0x1;
	s3 =	sadd.s32 s4, s19  }
0x9c: {  	s7 =	simm.s32 $0x0;
	s20 =	sshll.u32 s5, $0x1;
	s5 =	sadd.s32 s21, s3  }
0x9d: {  	[timem:s7], [sflag:s22] =	dma.local [hbm:s5], s20  }
0x9e: {  	_ =	swait.ge [sflag:s22], s20  }
0x9f: {  	s4 =	ssub.s32 $0x0, s20;
	[sflag:s22] =	ssyncset.done $0x0  }
0xa0: {  	[sflag:s22] =	ssyncadd.s32 s4;
	_ =	sdelay $0x1  }
0xa1: {  	s23 =	simm.s32 $0x1B8B  }
0xa2: {  	_ =	swait.ge [sflag:s23], $0x1  }
0xa3: {  	[sflag:s23] =	ssyncset.done $0x0  }
0xa4: {  	s25 =	simm.s32 $0x1B8E;
	s24 =	sld [smem:$0x3FFE];
	[sflag:s23] =	ssyncadd.s32 $0xFFFFFFFF  }
0xa5: {  	s26 =	simm.s32 $execute0_lowered;
	[smem:$0x3FD2] =	sst s25  }
0xa6: {  	s5 =	sshll.u32 s26, $0x1;
	_ =	strace $0x80000046;
	[dreg:$0x1] =	wrdreg $0xFFFFFFFF  }
0xa7: {  	s28 =	simm.s32 $_size_execute0_lowered;
	s3 =	sadd.s32 s3, s5;
	[dreg:$0x0] =	wrdreg $0x0  }
0xa8: {  	s5 =	sshll.u32 s28, $0x1;
	[dreg:$0x2] =	wrdreg s3  }
0xa9: {  	[dreg:$0x3] =	wrdreg s5  }
0xaa: {  	[dreg:$0x4] =	wrdreg $0xC0  }
0xab: {  	_ =	task [dreg:s7], $0x5FFFF  }
0xac: {  	[dreg:$0x1] =	wrdreg $0xFFFFFFFF  }
0xad: {  	[dreg:$0x0] =	wrdreg $0x60  }
0xae: {  	[dreg:$0x2] =	wrdreg s24  }
0xaf: {  	[dreg:$0x3] =	wrdreg s2  }
0xb0: {  	[dreg:$0x4] =	wrdreg $0x9  }
0xb1: {  	_ =	task.clear_ibuf [dreg:s7], $0x5FFFF;
	_ =	strace $0x90000046  }
0xb2: {  	s29 =	simm.s32 $0x9;
	_ =	strace $0x80000048  }
0xb3: {  	_ =	swait.ge [sflag:s29], $0x1  }
0xb4: {  	[sflag:s29] =	ssyncadd.s32 $0xFFFFFFFF  }
0xb5: {  	_ =	strace $0x90000048  }
0xb6: {  	_ =	sfence  }
0xb7: {  	s30 =	sld [smem:$0x0];
	_ =	sdelay $0x2  }
0xb8: {  	s31 =	sshll.u32 s1, $0xD;
	s1 =	sshrl.u32 s1, $0x2  }
0xb9: {  	s3 =	sand.u32 $0x4000, s31;
	s1 =	sadd.s32 s1, s30  }
0xba: {  	s0 =	sor.u32 s3, s0;
	s1 =	sshll.u32 s1, $0x11  }
0xbb: {  	s0 =	sor.u32 s1, s0  }
0xbc: {  	s0 =	sadd.s32 $0x8F2B, s0  }
0xbd: {  	[sflag:s0] =	ssyncadd.remote.s32 $0x1  }
0xbe: {  	_ =	sfence.sel $0xFFFF  }
0xbf: {  	[dreg:$0x0] =	wrdreg $0xFFFFFFFF;
	(pc) =	sbr.abs _section_cstart, $3  }
0xc0: {  	[dreg:$0x1] =	wrdreg $0xFFFFFFFF  }
0xc1: {  	_ =	task.clear_ibuf [dreg:s7], $0x2FFFF;
	_ =	strace $0x9FFFFFFF  }
0xc2: {  	(tm) =	ssettm $0x7FFFFFFF  }
0xc3: {  	_ =	shalt  }
tec
execute0_lowered:
.L_overlay_start_1:
0x0: {  	(tag) =	ssettag $0x1  }
0x1: {  	s4 =	rddreg [dreg:$0x0]  }
0x2: {  	s1 =	srdreg.scid;
	s0 =	stileid.u32  }
0x3: {  	s6 =	rddreg [dreg:$0x1];
	s2 =	simm.s32 $0x0;
	s10 =	simm.s32 $0x19000  }
0x4: {  	s11 =	simm.s32 $0x1A780;
	s3 =	sand.u32 $0x1, s1;
	s5 =	sshll.u32 s0, $0x1  }
0x5: {  	s12 =	simm.s32 $0x0;
	s1 =	rddreg [dreg:$0x2];
	s5 =	sor.u32 s3, s5  }
0x6: {  	[smem:$0x7FF] =	sst s2;
	s8 =	ssub.s32 $0x2, s3;
	s7 =	smul.u32 $0x3200, s5  }
0x7: {  	_ =	strace $0x80000047;
	s9 =	smul.u32 $0x300, s5;
	s31 =	sshrl.u32 s8, $0x1  }
0x8: {  	s3 =	sadd.s32 $0x64600, s4;
	s8 =	ssub.s32 s8, s31;
	s7 =	sadd.s32 s7, s4  }
0x9: {  	s4 =	sadd.s32 $0x64A00, s4;
	s6 =	sadd.s32 s6, s9;
	s9 =	simm.s32 $0x1  }
0xa: {  	v0 =	vlaneseq.u32;
	s5 =	sadd.s32 $0x600, s7;
	s7 =	smax.u32 s8, $0x1;
	s8 =	simm.s32 $0x1BF80  }
.LBB2_1:
0xb: {  	[tilespmem:s8], [sflag:$0x1] =	stream.linear.gather [hbm4b:s4+s2], $0x1, $0x38;
	[tilespmem:$0x1C000] =	vst v63  }
0xc: {  	_ =	swait.ge [sflag:s9], $0x1  }
0xd: {  	[sflag:s9] =	ssyncset.done $0x0  }
0xe: {  	[sflag:s9] =	ssyncadd.s32 $0xFFFFFFFF  }
0xf: {  	v1 =	vld.msk [tilespmem:$0x1BF80 ss:$0x0], $0xffff;
	[tilespmem:s2], [sflag:$0x1] =	stream.linear.gather [hbm4b:s5+s2], $0x19000, $0x38  }
0x10: {  	_ =	swait.ge [sflag:s9], $0x19000  }
0x11: {  	[sflag:s9] =	ssyncset.done $0x0  }
0x12: {  	[sflag:s9] =	ssyncadd.s32 $0xFFFE7000  }
0x13: {  	[tilespmem:s10], [sflag:$0x1] =	stream.linear.gather [hbm4b:s3+s2], $0x1780, $0x38;
	[tilespmem:$0x1C000] =	vst v63  }
0x14: {  	_ =	swait.ge [sflag:s9], $0x1780  }
0x15: {  	[sflag:s9] =	ssyncset.done $0x0  }
0x16: {  	s13 =	simm.s32 $0x0;
	[sflag:s9] =	ssyncadd.s32 $0xFFFFE880  }
.LBB2_2:
0x17: {  	s14 =	sshll.u32 s13, $0x4  }
0x18: {  	v2 =	vor.u32 s14, v0  }
0x19: {  	v3 =	vmul.u32 $0xC8, v2;
	_ =	sdelay $0x5  }
0x1a: {  	v4 =	vld.idx.msk [tilespmem:v3+s2+$0x0], $0xffff;
	_ =	sdelay $0x4  }
0x1b: {  	s30 =	simm.s32 $0x0;
	v5 =	vor.u32 $0x1, v3;
	v8 =	vmul.u32 $0xC, v4  }
0x1c: {  	v3 =	vadd.s32 s30, v5  }
0x1d: {  	v4 =	vadd.s32 $0xB, v8  }
0x1e: {  	v6 =	vor.u32 $0x1, v8  }
0x1f: {  	v7 =	vor.u32 $0x2, v8  }
0x20: {  	v9 =	vor.u32 $0x3, v8  }
0x21: {  	v3 =	vld.idx.msk [tilespmem:v3+s2+$0x0], $0xffff;
	v10 =	vadd.s32 $0x4, v8  }
0x22: {  	v11 =	vadd.s32 $0x5, v8;
	v4 =	vld.idx.msk [tilespmem:v4+s10+$0x0], $0xffff  }
0x23: {  	v12 =	vadd.s32 $0x6, v8;
	v13 =	vld.idx.msk [tilespmem:v6+s10+$0x0], $0xffff  }
0x24: {  	v15 =	vadd.s32 $0x8, v8;
	v7 =	vld.idx.msk [tilespmem:v7+s10+$0x0], $0xffff  }
0x25: {  	v18 =	vadd.s32 $0xA, v8;
	v9 =	vld.idx.msk [tilespmem:v9+s10+$0x0], $0xffff  }
0x26: {  	v14 =	vadd.s32 $0x7, v8;
	v17 =	vld.idx.msk [tilespmem:v10+s10+$0x0], $0xffff  }
0x27: {  	v11 =	vld.idx.msk [tilespmem:v11+s10+$0x0], $0xffff  }
0x28: {  	s31 =	simm.s32 $0x1;
	v16 =	vadd.s32 $0x9, v8;
	v10 =	vmul.u32 $0xC, v3;
	v32 =	vld.idx.msk [tilespmem:v12+s10+$0x0], $0xffff  }
0x29: {  	v33 =	vadd.s32 s31, v5;
	v6 =	vimm.f32 $0.0e+00;
	v21 =	vld.idx.msk [tilespmem:v15+s10+$0x0], $0xffff;
	v15 =	vimm.f32 $0.0e+00  }
0x2a: {  	v24 =	vld.idx.msk [tilespmem:v18+s10+$0x0], $0xffff;
	v18 =	vimm.f32 $0.0e+00;
	v30 =	vor.u32 $0x1, v10;
	v27 =	vor.u32 $0x2, v10  }
0x2b: {  	v31 =	vor.u32 $0x3, v10;
	v3 =	vadd.f32 v13, v6;
	v13 =	vld.idx.msk [tilespmem:v14+s10+$0x0], $0xffff;
	v14 =	vadd.s32 $0xB, v10  }
0x2c: {  	v29 =	vadd.s32 $0x4, v10;
	v25 =	vadd.s32 $0x5, v10;
	v26 =	vadd.s32 $0x6, v10  }
0x2d: {  	v22 =	vld.idx.msk [tilespmem:v16+s10+$0x0], $0xffff;
	v23 =	vadd.s32 $0x7, v10;
	v20 =	vadd.s32 $0x8, v10;
	v4 =	vadd.f32 v4, v6  }
0x2e: {  	v33 =	vld.idx.msk [tilespmem:v33+s2+$0x0], $0xffff;
	v19 =	vadd.s32 $0x9, v10;
	v7 =	vadd.f32 v7, v6;
	v12 =	vadd.f32 v9, v6  }
0x2f: {  	v28 =	vld.idx.msk [tilespmem:v8+s10+$0x0], $0xffff;
	v16 =	vadd.s32 $0xA, v10;
	v8 =	vadd.f32 v17, v6;
	v11 =	vadd.f32 v11, v6  }
0x30: {  	s15 =	simm.s32 $0x2;
	s14 =	simm.s32 $0x3;
	v9 =	vadd.f32 v32, v6;
	v17 =	vimm.f32 $0.0e+00;
	v32 =	vld.idx.msk [tilespmem:v14+s10+$0x0], $0xffff;
	v14 =	vimm.f32 $0.0e+00  }
.LBB2_3:
0x31: {  	p0 =	sne.s32 s14, $0xC7;
	v30 =	vld.idx.msk [tilespmem:v30+s10+$0x0], $0xffff;
	v6 =	vadd.f32 v13, v6;
	v15 =	vadd.f32 v21, v15  }
0x32: {  	v17 =	vadd.f32 v22, v17;
	v34 =	vld.idx.msk [tilespmem:v27+s10+$0x0], $0xffff  }
0x33: {  	v18 =	vadd.f32 v24, v18;
	v35 =	vld.idx.msk [tilespmem:v31+s10+$0x0], $0xffff  }
0x34: {  	v14 =	vadd.f32 v28, v14;
	v36 =	vld.idx.msk [tilespmem:v29+s10+$0x0], $0xffff  }
0x35: {  	v37 =	vld.idx.msk [tilespmem:v25+s10+$0x0], $0xffff  }
0x36: {  	v33 =	vmul.u32 $0xC, v33;
	v4 =	vadd.f32 v32, v4;
	v38 =	vld.idx.msk [tilespmem:v26+s10+$0x0], $0xffff  }
0x37: {  	v32 =	vadd.s32 s15, v5;
	s15 =	smov.u32 s14;
	v3 =	vadd.f32 v30, v3;
	v13 =	vld.idx.msk [tilespmem:v23+s10+$0x0], $0xffff  }
0x38: {  	v30 =	vor.u32 $0x1, v33;
	v27 =	vor.u32 $0x2, v33;
	v39 =	vadd.s32 $0xB, v33;
	v21 =	vld.idx.msk [tilespmem:v20+s10+$0x0], $0xffff  }
.Ltmp0:
0x39: {  	v31 =	vor.u32 $0x3, v33;
	v29 =	vadd.s32 $0x4, v33;
	v25 =	vadd.s32 $0x5, v33;
	v22 =	vld.idx.msk [tilespmem:v19+s10+$0x0], $0xffff;
	(pc) =	sbr.rel @p0 .LBB2_3-.Ltmp0, $4  }
0x3a: {  	v26 =	vadd.s32 $0x6, v33;
	v23 =	vadd.s32 $0x7, v33;
	v20 =	vadd.s32 $0x8, v33;
	v24 =	vld.idx.msk [tilespmem:v16+s10+$0x0], $0xffff  }
0x3b: {  	v7 =	vadd.f32 v34, v7;
	v19 =	vadd.s32 $0x9, v33;
	v16 =	vadd.s32 $0xA, v33;
	v28 =	vld.idx.msk [tilespmem:v10+s10+$0x0], $0xffff;
	v10 =	vmovc v33  }
0x3c: {  	v12 =	vadd.f32 v35, v12;
	v8 =	vadd.f32 v36, v8;
	v33 =	vld.idx.msk [tilespmem:v32+s2+$0x0], $0xffff  }
0x3d: {  	s14 =	sadd.s32 $0x1, s14;
	v11 =	vadd.f32 v37, v11;
	v9 =	vadd.f32 v38, v9;
	v32 =	vld.idx.msk [tilespmem:v39+s10+$0x0], $0xffff  }
0x3e: {  	_ =	sdelay $0x3  }
0x3f: {  	v5 =	vld.idx.msk [tilespmem:v30+s10+$0x0], $0xffff  }
0x40: {  	v27 =	vld.idx.msk [tilespmem:v27+s10+$0x0], $0xffff  }
0x41: {  	v55 =	vld.idx.msk [tilespmem:v31+s10+$0x0], $0xffff  }
0x42: {  	v29 =	vld.idx.msk [tilespmem:v29+s10+$0x0], $0xffff  }
0x43: {  	v25 =	vld.idx.msk [tilespmem:v25+s10+$0x0], $0xffff  }
0x44: {  	v26 =	vld.idx.msk [tilespmem:v26+s10+$0x0], $0xffff;
	v56 =	vmul.u32 $0xC, v33  }
0x45: {  	v23 =	vld.idx.msk [tilespmem:v23+s10+$0x0], $0xffff  }
0x46: {  	v20 =	vld.idx.msk [tilespmem:v20+s10+$0x0], $0xffff;
	v33 =	vadd.s32 $0xB, v56  }
0x47: {  	v19 =	vld.idx.msk [tilespmem:v19+s10+$0x0], $0xffff;
	v34 =	vor.u32 $0x1, v56  }
0x48: {  	v16 =	vld.idx.msk [tilespmem:v16+s10+$0x0], $0xffff;
	v6 =	vadd.f32 v13, v6;
	v35 =	vor.u32 $0x2, v56  }
0x49: {  	v10 =	vld.idx.msk [tilespmem:v10+s10+$0x0], $0xffff;
	v57 =	vadd.f32 v21, v15;
	v2 =	vmul.u32 $0xC, v2;
	v36 =	vor.u32 $0x3, v56  }
0x4a: {  	v17 =	vadd.f32 v22, v17;
	v18 =	vadd.f32 v24, v18;
	v58 =	vadd.s32 $0x4, v56;
	v38 =	vld.idx.msk [tilespmem:v56+s10+$0x0], $0xffff  }
0x4b: {  	v14 =	vadd.f32 v28, v14;
	v44 =	vor.u32 $0x1, v2;
	v59 =	vadd.s32 $0x5, v56;
	v21 =	vld.idx.msk [tilespmem:v33+s10+$0x0], $0xffff  }
0x4c: {  	v46 =	vor.u32 $0x2, v2;
	v48 =	vor.u32 $0x3, v2;
	v61 =	vadd.s32 $0x6, v56;
	v60 =	vld.idx.msk [tilespmem:v34+s10+$0x0], $0xffff  }
0x4d: {  	v4 =	vadd.f32 v32, v4;
	v3 =	vadd.f32 v5, v3;
	v63 =	vadd.s32 $0x7, v56;
	v62 =	vld.idx.msk [tilespmem:v35+s10+$0x0], $0xffff  }
0x4e: {  	v37 =	vadd.s32 $0x8, v56;
	v7 =	vadd.f32 v27, v7;
	v12 =	vadd.f32 v55, v12;
	v40 =	vld.idx.msk [tilespmem:v36+s10+$0x0], $0xffff  }
0x4f: {  	v39 =	vadd.s32 $0x9, v56;
	v8 =	vadd.f32 v29, v8;
	v10 =	vadd.f32 v10, v14;
	v15 =	vld.idx.msk [tilespmem:v58+s10+$0x0], $0xffff  }
0x50: {  	v41 =	vadd.s32 $0xA, v56;
	v11 =	vadd.f32 v25, v11;
	v9 =	vadd.f32 v26, v9;
	v42 =	vld.idx.msk [tilespmem:v59+s10+$0x0], $0xffff  }
0x51: {  	v50 =	vadd.s32 $0x4, v2;
	v6 =	vadd.f32 v23, v6;
	v43 =	vld.idx.msk [tilespmem:v61+s10+$0x0], $0xffff;
	v10 =	vadd.f32 v38, v10  }
0x52: {  	v51 =	vadd.s32 $0x5, v2;
	v13 =	vadd.f32 v20, v57;
	v5 =	vld.idx.msk [tilespmem:v63+s10+$0x0], $0xffff;
	v3 =	vadd.f32 v60, v3  }
0x53: {  	v17 =	vadd.f32 v19, v17;
	v45 =	vld.idx.msk [tilespmem:v37+s10+$0x0], $0xffff;
	v7 =	vadd.f32 v62, v7;
	v10 =	vmul.f32 v10, v1  }
0x54: {  	v16 =	vadd.f32 v16, v18;
	v47 =	vld.idx.msk [tilespmem:v39+s10+$0x0], $0xffff;
	v12 =	vadd.f32 v40, v12;
	v3 =	vmul.f32 v3, v1  }
0x55: {  	v49 =	vld.idx.msk [tilespmem:v41+s10+$0x0], $0xffff;
	v8 =	vadd.f32 v15, v8;
	v7 =	vmul.f32 v7, v1;
	[tilespmem:v2+s11+$0x0] =	vst.idx.msk $0xffff, v10  }
0x56: {  	v52 =	vadd.s32 $0x6, v2;
	v11 =	vadd.f32 v42, v11;
	[tilespmem:v44+s11+$0x0] =	vst.idx.msk $0xffff, v3;
	v3 =	vmul.f32 v12, v1  }
0x57: {  	v54 =	vadd.s32 $0x7, v2;
	v9 =	vadd.f32 v43, v9;
	v53 =	vmul.f32 v8, v1;
	[tilespmem:v46+s11+$0x0] =	vst.idx.msk $0xffff, v7  }
0x58: {  	v55 =	vadd.s32 $0x8, v2;
	v5 =	vadd.f32 v5, v6;
	[tilespmem:v48+s11+$0x0] =	vst.idx.msk $0xffff, v3;
	v3 =	vmul.f32 v11, v1  }
0x59: {  	v58 =	vadd.s32 $0x9, v2;
	v56 =	vadd.f32 v45, v13;
	v57 =	vmul.f32 v9, v1;
	[tilespmem:v50+s11+$0x0] =	vst.idx.msk $0xffff, v53  }
0x5a: {  	s13 =	sadd.s32 $0x1, s13;
	v59 =	vadd.f32 v47, v17;
	v60 =	vadd.s32 $0xA, v2;
	[tilespmem:v51+s11+$0x0] =	vst.idx.msk $0xffff, v3;
	v3 =	vmul.f32 v5, v1  }
0x5b: {  	p0 =	sne.s32 s13, $0x20;
	v61 =	vadd.f32 v49, v16;
	v62 =	vmul.f32 v56, v1;
	v2 =	vadd.s32 $0xB, v2;
	[tilespmem:v52+s11+$0x0] =	vst.idx.msk $0xffff, v57  }
.Ltmp1:
0x5c: {  	v4 =	vadd.f32 v21, v4;
	[tilespmem:v54+s11+$0x0] =	vst.idx.msk $0xffff, v3;
	v3 =	vmul.f32 v59, v1;
	(pc) =	sbr.rel @p0 .LBB2_2-.Ltmp1, $4  }
0x5d: {  	v63 =	vmul.f32 v61, v1;
	[tilespmem:v55+s11+$0x0] =	vst.idx.msk $0xffff, v62  }
0x5e: {  	[tilespmem:v58+s11+$0x0] =	vst.idx.msk $0xffff, v3;
	v3 =	vmul.f32 v4, v1  }
0x5f: {  	[tilespmem:v60+s11+$0x0] =	vst.idx.msk $0xffff, v63  }
0x60: {  	[tilespmem:v2+s11+$0x0] =	vst.idx.msk $0xffff, v3  }
0x61: {  	s12 =	sadd.s32 $0x1, s12  }
0x62: {  	p0 =	sne.s32 s12, s7  }
.Ltmp2:
0x63: {  	_ = 	snop;
	(pc) =	sbr.rel @p0 .LBB2_1-.Ltmp2, $4  }
0x64: {  	[hbm4b:s6+s2] =	stream.linear.scatter [tilespmem:s11], [sflag:$0x1], $0x1800, $0x38;
	[tilespmem:$0x1C000] =	vst v63  }
0x65: {  	_ =	swait.ge [sflag:s9], $0x1800  }
0x66: {  	[sflag:s9] =	ssyncset.done $0x0  }
0x67: {  	[sflag:s9] =	ssyncadd.s32 $0xFFFFE800  }
0x68: {  	_ =	sfence.sel $0x180000  }
0x69: {  	[bflag:$0x0] =	sbarrier.arrive $0xFFFF  }
0x6a: {  	p0 =	sne.s32 s0, $0x0;
	_ =	strace $0x90000047  }
0x6b: {  	s0 =	sadd.s32 @!p0 $0x100000, s1;
	[bflag:$0x2] =	sbarrier.arrive $0xFFFF  }
0x6c: {  	[sflag:s0] =	ssyncadd.tile.s32 @!p0 $0x1;
	_ =	shalt  }
.Lfunc_end2:
_tile_overlayer_lowered:
.L_overlay_start_2:
0x6d: {  	(tag) =	ssettag $0x2  }
0x6e: {  	s0 =	rddreg [dreg:$0x0];
	s2 =	stileid.u32  }
0x6f: {  	s1 =	rddreg [dreg:$0x1];
	p0 =	sne.s32 s2, $0x0  }
0x70: {  	s3 =	rddreg [dreg:$0x2];
	[bflag:$0x3] =	sbarrier.arrive $0xFFFF;
	s2 =	simm.s32 @!p0 $0x1C01  }
0x71: {  	[timem:s3], [sflag:s2] =	dma.local @!p0 [hbm:s0], s1  }
0x72: {  	s0 =	simm.s32 @!p0 $0x1  }
0x73: {  	_ =	swait.ge @!p0 [sflag:s0], s1  }
0x74: {  	s1 =	ssub.s32 @!p0 $0x0, s1;
	[sflag:s0] =	ssyncset.done @!p0 $0x0  }
0x75: {  	[sflag:s0] =	ssyncadd.s32 @!p0 s1  }
0x76: {  	[bflag:$0x3] =	sbarrier.arrive $0xFFFF  }
0x77: {  	_ =	shalt  }

</sc_bundles>
